<compile_context>
chip_gen: v7x
topology: tpu7x:2x2x1
jax: 0.10.2.dev20260603
libtpu: 0.0.44.dev20260713+nightly
codegen_flags: <defaults>
</compile_context>

<pallas_src>
import functools

import jax
import jax.numpy as jnp
from jax import lax
from jax.experimental import pallas as pl
from jax.experimental.pallas import tpu as pltpu
from jax.experimental.pallas import tpu_sc as plsc

B = 4
N = 50000
K = 16
CIN = 3
COUT = 16

NW = 32
ROWS = N * K
ROWS_PER_W = ROWS // NW
CHUNK = 5000

NB = 1024
GRID = (N + NB - 1) // NB


def _sc_gather(table, idx_flat):
    mesh = plsc.VectorSubcoreMesh(core_axis_name="c", subcore_axis_name="s")

    @functools.partial(
        pl.kernel,
        out_type=jax.ShapeDtypeStruct((ROWS, 16), jnp.float32),
        mesh=mesh,
        compiler_params=pltpu.CompilerParams(use_tc_tiling_on_sc=False),
        scratch_types=[
            pltpu.VMEM((CHUNK,), jnp.int32),
            pltpu.VMEM((CHUNK, 16), jnp.float32),
            pltpu.SemaphoreType.DMA,
        ],
    )
    def k(table_hbm, idx_hbm, out_hbm, idx_v, rows_v, sem):
        wid = lax.axis_index("s") * 2 + lax.axis_index("c")
        base = wid * ROWS_PER_W

        def body(i, carry):
            off = base + i * CHUNK
            pltpu.sync_copy(idx_hbm.at[pl.ds(off, CHUNK)], idx_v)
            pltpu.async_copy(table_hbm.at[idx_v], rows_v, sem).wait()
            pltpu.sync_copy(rows_v, out_hbm.at[pl.ds(off, CHUNK)])
            return carry

        lax.fori_loop(0, ROWS_PER_W // CHUNK, body, 0)

    return k(table, idx_flat)


def _tc_body(g_ref, w_ref, b_ref, o_ref):
    g = g_ref[...]
    gt = jnp.transpose(g, (1, 0))
    gt3 = gt.reshape(K, 16, NB)
    w3 = w_ref[...].reshape(COUT, K * CIN, NB)
    bias = b_ref[...]
    for b in range(B):
        g48 = gt3[:, 4 * b:4 * b + 3, :].reshape(K * CIN, NB)
        prod = w3 * g48[None, :, :]
        ob = prod.sum(axis=1) + bias
        o_ref[b] = jnp.where(ob > 0, ob, jnp.exp(ob) - 1.0)


def _tc_reduce(g2, wt, bias_t):
    return pl.pallas_call(
        _tc_body,
        grid=(GRID,),
        in_specs=[
            pl.BlockSpec((NB, K * 16), lambda i: (i, 0)),
            pl.BlockSpec((768, NB), lambda i: (0, i)),
            pl.BlockSpec((COUT, NB), lambda i: (0, i)),
        ],
        out_specs=pl.BlockSpec((B, COUT, NB), lambda i: (0, 0, i)),
        out_shape=jax.ShapeDtypeStruct((B, COUT, N), jnp.float32),
    )(g2, wt, bias_t)


def kernel(x, neighbor_id_lstlst, weights, bias):
    xt = jnp.transpose(x, (1, 0, 2))
    xt = jnp.pad(xt, ((0, 0), (0, 0), (0, 1)))
    table = xt.reshape(N, 16)
    idx_flat = neighbor_id_lstlst.astype(jnp.int32).reshape(ROWS)

    gathered = _sc_gather(table, idx_flat)
    g2 = gathered.reshape(N, K * 16)
    wt = jnp.transpose(weights, (2, 1, 3, 0)).reshape(768, N)
    bias_t = jnp.transpose(bias)
    out_t = _tc_reduce(g2, wt, bias_t)
    return jnp.transpose(out_t, (0, 2, 1))

# --- scband reference (transcript-rebuilt; emitter-appended) ---
"""Pipeline reference for scband-model-28750511079730 (READ-ONLY COPY).

The authoritative reference and input builder live on the scoring server;
editing this copy changes nothing except your own understanding.
"""

import jax, jax.numpy as jnp
import numpy as np

POINT_NUM = 50000
OUT_POINT_NUM = 50000
MAX_NBR = 16
IN_CH = 3
OUT_CH = 16
BATCH = 4
AVG_NBR = 16.0
WEIGHT_NUM = 1.0


def setup_inputs(seed: int = 0) -> dict:
    key = jax.random.key(seed)
    k1, k2, k3 = jax.random.split(key, 3)
    x = jax.random.normal(k1, (BATCH, POINT_NUM, IN_CH), dtype=jnp.float32)
    neighbor_id_lstlst = jax.random.randint(k2, (OUT_POINT_NUM, MAX_NBR), 0, POINT_NUM, dtype=jnp.int64)
    # per-point 'vw' conv weights, initialized as in the torch module:
    # torch.randn(out_point_num, max_neighbor_num, out_channel, in_channel) / (avg_neighbor_num * weight_num)
    weights = jax.random.normal(k3, (OUT_POINT_NUM, MAX_NBR, OUT_CH, IN_CH), dtype=jnp.float32) / (AVG_NBR * WEIGHT_NUM)
    # perpoint_bias == 1 -> bias of shape (out_point_num, out_channel), zero-init
    bias = jnp.zeros((OUT_POINT_NUM, OUT_CH), dtype=jnp.float32)
    return {"x": x, "neighbor_id_lstlst": neighbor_id_lstlst, "weights": weights, "bias": bias}


def reference(x, neighbor_id_lstlst, weights, bias):
    # Faithful jax translation of one 'vw' (per-vertex-weight) graph conv layer
    # from the mesh autoencoder Model: pad -> mask -> gather -> weighted sum -> bias -> ELU.
    B, N_in, Cin = x.shape
    # pc_mask: ones for real points, 0 for the padding slot at index N_in
    pc_mask = jnp.ones((N_in + 1,), dtype=x.dtype).at[N_in].set(0.0)
    neighbor_mask = pc_mask[neighbor_id_lstlst]  # [N_out, K]
    # pad x with a zero row so out-of-range (padding) neighbor ids gather zeros
    x_pad = jnp.concatenate([x, jnp.zeros((B, 1, Cin), dtype=x.dtype)], axis=1)  # [B, N_in+1, Cin]
    # gather neighbor features: [B, N_out, K, Cin]
    gathered = x_pad[:, neighbor_id_lstlst]
    gathered = gathered * neighbor_mask[None, :, :, None]
    # per-output-point, per-neighbor weights: [N_out, K, Cout, Cin]
    out = jnp.einsum('bnkc,nkoc->bno', gathered, weights)  # [B, N_out, Cout]
    out = out + bias[None, :, :]
    out = jax.nn.elu(out)  # self.relu = nn.ELU()
    return out

if __name__ == "__main__":
    import jax
    _d = setup_inputs()
    print(jax.jit(kernel)(*tuple(_d.values())))

</pallas_src>

<mosaic_0001>
#map = affine_map<(d0, d1) -> (0, 0)>
#map1 = affine_map<(d0, d1) -> (0)>
module attributes {stable_mosaic.version = 14 : i64} {
  func.func @k(%arg0: i32, %arg1: i32, %arg2: memref<50000x16xf32, #tpu.memory_space<hbm>>, %arg3: memref<800000xi32, #tpu.memory_space<hbm>>, %arg4: memref<800000x16xf32, #tpu.memory_space<hbm>>, %arg5: memref<5000xi32, #tpu.memory_space<vmem>>, %arg6: memref<5000x16xf32, #tpu.memory_space<vmem>>, %arg7: memref<!tpu.dma_semaphore, #tpu.memory_space<semaphore_mem>>) attributes {dimension_semantics = [#tpu.dimension_semantics<core_parallel>, #tpu.dimension_semantics<subcore_parallel>], iteration_bounds = array<i64: 2, 16>, scalar_prefetch = 0 : i64, scratch_operands = 3 : i64, tpu.core_type = #tpu.core_type<sc_vector_subcore>, window_params = [{transform_indices = #map}, {transform_indices = #map1}, {transform_indices = #map}]} {
    %mul3A = arith.constant 2 : i32
    %mul3A_0 = arith.muli %arg1, %mul3A : i32
    %add3A = arith.addi %mul3A_0, %arg0 : i32
    %mul3A_1 = arith.constant 25000 : i32
    %mul3A_2 = arith.muli %add3A, %mul3A_1 : i32
    %scan3A = arith.constant 0 : i32
    %scan3A_3 = arith.constant 0 : i32
    %scan3A_4 = arith.constant 5 : i32
    %scan3A_5 = arith.addi %scan3A_3, %scan3A_4 : i32
    %scan3A_6 = arith.constant 1 : i32
    scf.for %scan3A_8 = %scan3A_3 to %scan3A_5 step %scan3A_6  : i32 {
      %mul3A_9 = arith.constant 5000 : i32
      %mul3A_10 = arith.muli %scan3A_8, %mul3A_9 : i32
      %add3A_11 = arith.addi %mul3A_2, %mul3A_10 : i32
      "tpu.region"() ({
        %run_scoped3A = tpu.sem_alloc : memref<!tpu.dma_semaphore, #tpu.memory_space<semaphore_mem>>
        %dma_start3A_16 = tpu.memref_slice %arg3[%add3A_11] : memref<800000xi32, #tpu.memory_space<hbm>> -> memref<5000xi32, #tpu.memory_space<hbm>>
        %dma_start3A_17 = tpu.memref_slice %arg3[%add3A_11] : memref<800000xi32, #tpu.memory_space<hbm>> -> memref<5000xi32, #tpu.memory_space<hbm>>
        tpu.enqueue_dma source(%dma_start3A_17 : memref<5000xi32, #tpu.memory_space<hbm>>) target(%arg5 : memref<5000xi32, #tpu.memory_space<vmem>>) target_semaphore(%run_scoped3A : memref<!tpu.dma_semaphore, #tpu.memory_space<semaphore_mem>>)
        %dma_wait3A_18 = tpu.memref_slice %arg3[%add3A_11] : memref<800000xi32, #tpu.memory_space<hbm>> -> memref<5000xi32, #tpu.memory_space<hbm>>
        %dma_wait3A_19 = tpu.memref_slice %arg3[%add3A_11] : memref<800000xi32, #tpu.memory_space<hbm>> -> memref<5000xi32, #tpu.memory_space<hbm>>
        tpu.wait_dma2 semaphore(%run_scoped3A : memref<!tpu.dma_semaphore, #tpu.memory_space<semaphore_mem>>) src(%dma_wait3A_19 : memref<5000xi32, #tpu.memory_space<hbm>>) dst(%arg5 : memref<5000xi32, #tpu.memory_space<vmem>>)
        tpu.yield
      }) : () -> ()
      %dma_start3A = arith.constant 0 : i32
      %dma_start3A_12 = arith.constant 0 : i32
      %dma_start3A_13 = tpu.memref_slice %arg2[%dma_start3A, %dma_start3A_12] : memref<50000x16xf32, #tpu.memory_space<hbm>> -> memref<50000x16xf32, #tpu.memory_space<hbm>>
      tpu.enqueue_indirect_dma source(%dma_start3A_13 : memref<50000x16xf32, #tpu.memory_space<hbm>>) target(%arg6 : memref<5000x16xf32, #tpu.memory_space<vmem>>) offsets(%arg5 : memref<5000xi32, #tpu.memory_space<vmem>>) semaphore(%arg7 : memref<!tpu.dma_semaphore, #tpu.memory_space<semaphore_mem>>)
      %dma_wait3A = arith.constant 0 : i32
      %dma_wait3A_14 = arith.constant 0 : i32
      %dma_wait3A_15 = tpu.memref_slice %arg2[%dma_wait3A, %dma_wait3A_14] : memref<50000x16xf32, #tpu.memory_space<hbm>> -> memref<50000x16xf32, #tpu.memory_space<hbm>>
      tpu.wait_indirect_dma semaphore(%arg7 : memref<!tpu.dma_semaphore, #tpu.memory_space<semaphore_mem>>) src(%dma_wait3A_15 : memref<50000x16xf32, #tpu.memory_space<hbm>>) dst(%arg6 : memref<5000x16xf32, #tpu.memory_space<vmem>>)
      "tpu.region"() ({
        %run_scoped3A = tpu.sem_alloc : memref<!tpu.dma_semaphore, #tpu.memory_space<semaphore_mem>>
        %dma_start3A_16 = arith.constant 0 : i32
        %dma_start3A_17 = tpu.memref_slice %arg4[%add3A_11, %dma_start3A_16] : memref<800000x16xf32, #tpu.memory_space<hbm>> -> memref<5000x16xf32, #tpu.memory_space<hbm>>
        %dma_start3A_18 = arith.constant 0 : i32
        %dma_start3A_19 = tpu.memref_slice %arg4[%add3A_11, %dma_start3A_18] : memref<800000x16xf32, #tpu.memory_space<hbm>> -> memref<5000x16xf32, #tpu.memory_space<hbm>>
        tpu.enqueue_dma source(%arg6 : memref<5000x16xf32, #tpu.memory_space<vmem>>) target(%dma_start3A_19 : memref<5000x16xf32, #tpu.memory_space<hbm>>) target_semaphore(%run_scoped3A : memref<!tpu.dma_semaphore, #tpu.memory_space<semaphore_mem>>)
        %dma_wait3A_20 = arith.constant 0 : i32
        %dma_wait3A_21 = tpu.memref_slice %arg4[%add3A_11, %dma_wait3A_20] : memref<800000x16xf32, #tpu.memory_space<hbm>> -> memref<5000x16xf32, #tpu.memory_space<hbm>>
        %dma_wait3A_22 = arith.constant 0 : i32
        %dma_wait3A_23 = tpu.memref_slice %arg4[%add3A_11, %dma_wait3A_22] : memref<800000x16xf32, #tpu.memory_space<hbm>> -> memref<5000x16xf32, #tpu.memory_space<hbm>>
        tpu.wait_dma2 semaphore(%run_scoped3A : memref<!tpu.dma_semaphore, #tpu.memory_space<semaphore_mem>>) src(%arg6 : memref<5000x16xf32, #tpu.memory_space<vmem>>) dst(%dma_wait3A_23 : memref<5000x16xf32, #tpu.memory_space<hbm>>)
        tpu.yield
      }) : () -> ()
    }
    %scan3A_7 = arith.constant 5 : i32
    return
  }
}

module attributes {stable_mosaic.version = 14 : i64} {
  func.func @_tc_body(%arg0: i32, %arg1: memref<1024x256xf32, #tpu.memory_space<vmem>>, %arg2: memref<768x1024xf32, #tpu.memory_space<vmem>>, %arg3: memref<16x1024xf32, #tpu.memory_space<vmem>>, %arg4: memref<4x16x1024xf32, #tpu.memory_space<vmem>>) attributes {dimension_semantics = [#tpu.dimension_semantics<arbitrary>], iteration_bounds = array<i64: 49>, scalar_prefetch = 0 : i64, scratch_operands = 0 : i64, tpu.core_type = #tpu.core_type<tc>, window_params = [{transform_indices = @transform_0, window_bounds = array<i64: 1024, 256>}, {transform_indices = @transform_1, window_bounds = array<i64: 768, 1024>}, {transform_indices = @transform_2, window_bounds = array<i64: 16, 1024>}, {transform_indices = @transform_3, window_bounds = array<i64: 4, 16, 1024>}]} {
    %get3A = arith.constant 0 : index
    %get3A_0 = arith.constant 0 : index
    %get3A_1 = vector.load %arg1[%get3A, %get3A_0] : memref<1024x256xf32, #tpu.memory_space<vmem>>, vector<1024x256xf32>
    %transpose3A = tpu.transpose %get3A_1, [1, 0] : vector<1024x256xf32> -> vector<256x1024xf32>
    %reshape3A = vector.shape_cast %transpose3A : vector<256x1024xf32> to vector<16x16x1024xf32>
    %get3A_2 = arith.constant 0 : index
    %get3A_3 = arith.constant 0 : index
    %get3A_4 = vector.load %arg2[%get3A_2, %get3A_3] : memref<768x1024xf32, #tpu.memory_space<vmem>>, vector<768x1024xf32>
    %reshape3A_5 = vector.shape_cast %get3A_4 : vector<768x1024xf32> to vector<16x48x1024xf32>
    %get3A_6 = arith.constant 0 : index
    %get3A_7 = arith.constant 0 : index
    %get3A_8 = vector.load %arg3[%get3A_6, %get3A_7] : memref<16x1024xf32, #tpu.memory_space<vmem>>, vector<16x1024xf32>
    %slice3A = vector.extract_strided_slice %reshape3A {offsets = [0, 0, 0], sizes = [16, 3, 1024], strides = [1, 1, 1]} : vector<16x16x1024xf32> to vector<16x3x1024xf32>
    %reshape3A_9 = vector.shape_cast %slice3A : vector<16x3x1024xf32> to vector<48x1024xf32>
    %broadcast_in_dim3A = vector.shape_cast %reshape3A_9 : vector<48x1024xf32> to vector<1x48x1024xf32>
    %mul3A = vector.broadcast %broadcast_in_dim3A : vector<1x48x1024xf32> to vector<16x48x1024xf32>
    %mul3A_10 = arith.mulf %reshape3A_5, %mul3A : vector<16x48x1024xf32>
    %reduce_sum3A = arith.constant dense<0.000000e+00> : vector<16x1024xf32>
    %reduce_sum3A_11 = vector.multi_reduction <add>, %mul3A_10, %reduce_sum3A [1] : vector<16x48x1024xf32> to vector<16x1024xf32>
    %add3A = arith.addf %reduce_sum3A_11, %get3A_8 : vector<16x1024xf32>
    %gt3A = arith.constant 0.000000e+00 : f32
    %gt3A_12 = vector.broadcast %gt3A : f32 to vector<16x1024xf32>
    %gt3A_13 = arith.cmpf ogt, %add3A, %gt3A_12 : vector<16x1024xf32>
    %exp3A = math.exp %add3A : vector<16x1024xf32>
    %sub3A = arith.constant 1.000000e+00 : f32
    %sub3A_14 = vector.broadcast %sub3A : f32 to vector<16x1024xf32>
    %sub3A_15 = arith.subf %exp3A, %sub3A_14 : vector<16x1024xf32>
    %select_n3A = arith.select %gt3A_13, %add3A, %sub3A_15 : vector<16x1024xi1>, vector<16x1024xf32>
    %swap3A = arith.constant 0 : index
    %swap3A_16 = arith.constant 0 : index
    %swap3A_17 = arith.constant 0 : index
    %swap3A_18 = vector.load %arg4[%swap3A, %swap3A_16, %swap3A_17] : memref<4x16x1024xf32, #tpu.memory_space<vmem>>, vector<1x16x1024xf32>
    %swap3A_19 = vector.shape_cast %swap3A_18 : vector<1x16x1024xf32> to vector<16x1024xf32>
    %swap3A_20 = vector.shape_cast %select_n3A : vector<16x1024xf32> to vector<1x16x1024xf32>
    tpu.vector_store %arg4[%swap3A, %swap3A_16, %swap3A_17], %swap3A_20 {strides = array<i32>} : memref<4x16x1024xf32, #tpu.memory_space<vmem>>, vector<1x16x1024xf32>,
    %slice3A_21 = vector.extract_strided_slice %reshape3A {offsets = [0, 4, 0], sizes = [16, 3, 1024], strides = [1, 1, 1]} : vector<16x16x1024xf32> to vector<16x3x1024xf32>
    %reshape3A_22 = vector.shape_cast %slice3A_21 : vector<16x3x1024xf32> to vector<48x1024xf32>
    %broadcast_in_dim3A_23 = vector.shape_cast %reshape3A_22 : vector<48x1024xf32> to vector<1x48x1024xf32>
    %mul3A_24 = vector.broadcast %broadcast_in_dim3A_23 : vector<1x48x1024xf32> to vector<16x48x1024xf32>
    %mul3A_25 = arith.mulf %reshape3A_5, %mul3A_24 : vector<16x48x1024xf32>
    %reduce_sum3A_26 = arith.constant dense<0.000000e+00> : vector<16x1024xf32>
    %reduce_sum3A_27 = vector.multi_reduction <add>, %mul3A_25, %reduce_sum3A_26 [1] : vector<16x48x1024xf32> to vector<16x1024xf32>
    %add3A_28 = arith.addf %reduce_sum3A_27, %get3A_8 : vector<16x1024xf32>
    %gt3A_29 = arith.constant 0.000000e+00 : f32
    %gt3A_30 = vector.broadcast %gt3A_29 : f32 to vector<16x1024xf32>
    %gt3A_31 = arith.cmpf ogt, %add3A_28, %gt3A_30 : vector<16x1024xf32>
    %exp3A_32 = math.exp %add3A_28 : vector<16x1024xf32>
    %sub3A_33 = arith.constant 1.000000e+00 : f32
    %sub3A_34 = vector.broadcast %sub3A_33 : f32 to vector<16x1024xf32>
    %sub3A_35 = arith.subf %exp3A_32, %sub3A_34 : vector<16x1024xf32>
    %select_n3A_36 = arith.select %gt3A_31, %add3A_28, %sub3A_35 : vector<16x1024xi1>, vector<16x1024xf32>
    %swap3A_37 = arith.constant 1 : index
    %swap3A_38 = arith.constant 0 : index
    %swap3A_39 = arith.constant 0 : index
    %swap3A_40 = vector.load %arg4[%swap3A_37, %swap3A_38, %swap3A_39] : memref<4x16x1024xf32, #tpu.memory_space<vmem>>, vector<1x16x1024xf32>
    %swap3A_41 = vector.shape_cast %swap3A_40 : vector<1x16x1024xf32> to vector<16x1024xf32>
    %swap3A_42 = vector.shape_cast %select_n3A_36 : vector<16x1024xf32> to vector<1x16x1024xf32>
    tpu.vector_store %arg4[%swap3A_37, %swap3A_38, %swap3A_39], %swap3A_42 {strides = array<i32>} : memref<4x16x1024xf32, #tpu.memory_space<vmem>>, vector<1x16x1024xf32>,
    %slice3A_43 = vector.extract_strided_slice %reshape3A {offsets = [0, 8, 0], sizes = [16, 3, 1024], strides = [1, 1, 1]} : vector<16x16x1024xf32> to vector<16x3x1024xf32>
    %reshape3A_44 = vector.shape_cast %slice3A_43 : vector<16x3x1024xf32> to vector<48x1024xf32>
    %broadcast_in_dim3A_45 = vector.shape_cast %reshape3A_44 : vector<48x1024xf32> to vector<1x48x1024xf32>
    %mul3A_46 = vector.broadcast %broadcast_in_dim3A_45 : vector<1x48x1024xf32> to vector<16x48x1024xf32>
    %mul3A_47 = arith.mulf %reshape3A_5, %mul3A_46 : vector<16x48x1024xf32>
    %reduce_sum3A_48 = arith.constant dense<0.000000e+00> : vector<16x1024xf32>
    %reduce_sum3A_49 = vector.multi_reduction <add>, %mul3A_47, %reduce_sum3A_48 [1] : vector<16x48x1024xf32> to vector<16x1024xf32>
    %add3A_50 = arith.addf %reduce_sum3A_49, %get3A_8 : vector<16x1024xf32>
    %gt3A_51 = arith.constant 0.000000e+00 : f32
    %gt3A_52 = vector.broadcast %gt3A_51 : f32 to vector<16x1024xf32>
    %gt3A_53 = arith.cmpf ogt, %add3A_50, %gt3A_52 : vector<16x1024xf32>
    %exp3A_54 = math.exp %add3A_50 : vector<16x1024xf32>
    %sub3A_55 = arith.constant 1.000000e+00 : f32
    %sub3A_56 = vector.broadcast %sub3A_55 : f32 to vector<16x1024xf32>
    %sub3A_57 = arith.subf %exp3A_54, %sub3A_56 : vector<16x1024xf32>
    %select_n3A_58 = arith.select %gt3A_53, %add3A_50, %sub3A_57 : vector<16x1024xi1>, vector<16x1024xf32>
    %swap3A_59 = arith.constant 2 : index
    %swap3A_60 = arith.constant 0 : index
    %swap3A_61 = arith.constant 0 : index
    %swap3A_62 = vector.load %arg4[%swap3A_59, %swap3A_60, %swap3A_61] : memref<4x16x1024xf32, #tpu.memory_space<vmem>>, vector<1x16x1024xf32>
    %swap3A_63 = vector.shape_cast %swap3A_62 : vector<1x16x1024xf32> to vector<16x1024xf32>
    %swap3A_64 = vector.shape_cast %select_n3A_58 : vector<16x1024xf32> to vector<1x16x1024xf32>
    tpu.vector_store %arg4[%swap3A_59, %swap3A_60, %swap3A_61], %swap3A_64 {strides = array<i32>} : memref<4x16x1024xf32, #tpu.memory_space<vmem>>, vector<1x16x1024xf32>,
    %slice3A_65 = vector.extract_strided_slice %reshape3A {offsets = [0, 12, 0], sizes = [16, 3, 1024], strides = [1, 1, 1]} : vector<16x16x1024xf32> to vector<16x3x1024xf32>
    %reshape3A_66 = vector.shape_cast %slice3A_65 : vector<16x3x1024xf32> to vector<48x1024xf32>
    %broadcast_in_dim3A_67 = vector.shape_cast %reshape3A_66 : vector<48x1024xf32> to vector<1x48x1024xf32>
    %mul3A_68 = vector.broadcast %broadcast_in_dim3A_67 : vector<1x48x1024xf32> to vector<16x48x1024xf32>
    %mul3A_69 = arith.mulf %reshape3A_5, %mul3A_68 : vector<16x48x1024xf32>
    %reduce_sum3A_70 = arith.constant dense<0.000000e+00> : vector<16x1024xf32>
    %reduce_sum3A_71 = vector.multi_reduction <add>, %mul3A_69, %reduce_sum3A_70 [1] : vector<16x48x1024xf32> to vector<16x1024xf32>
    %add3A_72 = arith.addf %reduce_sum3A_71, %get3A_8 : vector<16x1024xf32>
    %gt3A_73 = arith.constant 0.000000e+00 : f32
    %gt3A_74 = vector.broadcast %gt3A_73 : f32 to vector<16x1024xf32>
    %gt3A_75 = arith.cmpf ogt, %add3A_72, %gt3A_74 : vector<16x1024xf32>
    %exp3A_76 = math.exp %add3A_72 : vector<16x1024xf32>
    %sub3A_77 = arith.constant 1.000000e+00 : f32
    %sub3A_78 = vector.broadcast %sub3A_77 : f32 to vector<16x1024xf32>
    %sub3A_79 = arith.subf %exp3A_76, %sub3A_78 : vector<16x1024xf32>
    %select_n3A_80 = arith.select %gt3A_75, %add3A_72, %sub3A_79 : vector<16x1024xi1>, vector<16x1024xf32>
    %swap3A_81 = arith.constant 3 : index
    %swap3A_82 = arith.constant 0 : index
    %swap3A_83 = arith.constant 0 : index
    %swap3A_84 = vector.load %arg4[%swap3A_81, %swap3A_82, %swap3A_83] : memref<4x16x1024xf32, #tpu.memory_space<vmem>>, vector<1x16x1024xf32>
    %swap3A_85 = vector.shape_cast %swap3A_84 : vector<1x16x1024xf32> to vector<16x1024xf32>
    %swap3A_86 = vector.shape_cast %select_n3A_80 : vector<16x1024xf32> to vector<1x16x1024xf32>
    tpu.vector_store %arg4[%swap3A_81, %swap3A_82, %swap3A_83], %swap3A_86 {strides = array<i32>} : memref<4x16x1024xf32, #tpu.memory_space<vmem>>, vector<1x16x1024xf32>,
    return
  }
  func.func @transform_0(%arg0: i32) -> (i32, i32) {
    %c0_i32 = arith.constant 0 : i32
    %c0_i32_0 = arith.constant 0 : i32
    return %arg0, %c0_i32 : i32, i32
  }
  func.func @transform_1(%arg0: i32) -> (i32, i32) {
    %c0_i32 = arith.constant 0 : i32
    %c0_i32_0 = arith.constant 0 : i32
    return %c0_i32, %arg0 : i32, i32
  }
  func.func @transform_2(%arg0: i32) -> (i32, i32) {
    %c0_i32 = arith.constant 0 : i32
    %c0_i32_0 = arith.constant 0 : i32
    return %c0_i32, %arg0 : i32, i32
  }
  func.func @transform_3(%arg0: i32) -> (i32, i32, i32) {
    %c0_i32 = arith.constant 0 : i32
    %c0_i32_0 = arith.constant 0 : i32
    %c0_i32_1 = arith.constant 0 : i32
    return %c0_i32, %c0_i32_0, %arg0 : i32, i32, i32
  }
}

</mosaic_0001>

<sc_bundles>
// kernel: kernel.4.cloned.1.call-start
scs
__scs_entry_jumppad:
0x0: {  	(pc) =	sbr.rel $0x88, $3  }
0x1: {  	(tag) =	ssettag $0x0;
	lr =	simm.s32 $0x1  }
0x2: {  	[smem:$0x3F9D] =	sst lr;
	_ =	strace $0xD0000000  }
0x3: {  	_ = 	snop  }
0x4: {  	_ = 	snop  }
0x5: {  	_ = 	snop  }
0x6: {  	_ = 	snop  }
0x7: {  	_ = 	snop  }
__scs_overlays_trampoline_lowered:
0x8: {  	[smem:$0x3FAC] =	sst s0  }
0x9: {  	[smem:$0x3FAD] =	sst s1  }
0xa: {  	[smem:$0x3FAE] =	sst s2  }
0xb: {  	[smem:$0x3FAF] =	sst s3  }
0xc: {  	[smem:$0x3FB0] =	sst s4  }
0xd: {  	[smem:$0x3FB1] =	sst s5  }
0xe: {  	[smem:$0x3FB2] =	sst s6  }
0xf: {  	[smem:$0x3FB3] =	sst s7  }
0x10: {  	[smem:$0x3FB4] =	sst s8  }
0x11: {  	[smem:$0x3FB5] =	sst s9;
	s0 =	simm.s32 @!p0 $0x0  }
0x12: {  	s1 =	sld [smem:$0x3F9B];
	s0 =	simm.s32 @p0 $0x1  }
0x13: {  	[smem:$0x3FB6] =	sst s0;
	s0 =	simm.s32 @!p1 $0x0  }
0x14: {  	s2 =	sld [smem:$0x3F9A];
	s0 =	simm.s32 @p1 $0x1  }
0x15: {  	[smem:$0x3FB7] =	sst s0;
	s0 =	simm.s32 @!p2 $0x0  }
0x16: {  	s3 =	sld [smem:$0x3FDB];
	s0 =	simm.s32 @p2 $0x1  }
0x17: {  	s4 =	simm.s32 $0x1BF5;
	[smem:$0x3FB9] =	sst s0  }
0x18: {  	s0 =	sld [smem:$0x3F9C];
	_ =	swait.ge [sflag:s4], $0x0  }
0x19: {  	s7 =	sld [smem:$0x3F9D]  }
0x1a: {  	s8 =	sadd.s32 $0xFFFFE003, lr  }
0x1b: {  	s9 =	sadd.s32 $0xFFFFFEF7, lr;
	s5 =	simm.s32 $0xFFFFFFFF;
	p2 =	slt.u32 s8, $0xFFFFF086  }
0x1c: {  	p1 =	slt.u32 s9, $0xF7A;
	s5 =	simm.s32 @!p2 $0x0  }
0x1d: {  	s5 =	simm.s32 @p1 $0x1;
	p0 =	seq.s32 s7, s2  }
0x1e: {  	s7 =	smul.u32 @!p0 $0xF7A, s2;
	p2 =	seq.s32 @!p0 s5, $0x0  }
0x1f: {  	s9 =	smul.u32 $0xF7A, s1;
	s8 =	simm.s32 @!p0 $0x1BF5;
	p2 =	por !p2, p0  }
0x20: {  	[sflag:s8] =	ssyncset.s32 @!p0 $0xFFFFF086;
	s6 =	sadd.s32 @!p0 s3, s7;
	s7 =	simm.s32 @!p0 $0x108  }
0x21: {  	s3 =	sadd.s32 s3, s9;
	s6 =	sadd.s32 @!p0 $0x88, s6;
	s7 =	simm.s32 @p2 $0x1082  }
0x22: {  	[simem:s7], [sflag:s8] =	dma.local @!p0 [hbm:s6], $0xF7A  }
0x23: {  	s9 =	sor.u32 $0xD0000000, s2;
	s6 =	simm.s32 $0x108;
	_ =	swait.ge @!p0 [sflag:s8], $0x0  }
0x24: {  	s3 =	sadd.s32 $0x88, s3;
	s6 =	simm.s32 @!p1 $0x1082;
	[sflag:s4] =	ssyncset.s32 $0xFFFFF086  }
0x25: {  	[simem:s6], [sflag:s4] =	dma.local [hbm:s3], $0xF7A  }
0x26: {  	[smem:$0x3F9D] =	sst s1;
	(tag) =	ssettag s2;
	_ =	strace s9  }
0x27: {  	s1 =	sld [smem:$0x3FAD]  }
0x28: {  	s2 =	sld [smem:$0x3FAE]  }
0x29: {  	s4 =	sld [smem:$0x3FB0]  }
0x2a: {  	p0 =	seq.s32 s5, $0x0;
	s5 =	sld [smem:$0x3FB1]  }
0x2b: {  	s6 =	sld [smem:$0x3FB2]  }
0x2c: {  	s7 =	sld [smem:$0x3FB3]  }
0x2d: {  	s3 =	simm.s32 $0x108;
	s8 =	sld [smem:$0x3FB4]  }
0x2e: {  	s3 =	simm.s32 @!p0 $0x1082;
	s9 =	sld [smem:$0x3FB5]  }
0x2f: {  	lr =	sadd.s32 s0, s3;
	s0 =	sld [smem:$0x3FAC]  }
0x30: {  	s3 =	sld [smem:$0x3FAF]  }
0x31: {  	[smem:$0x3FB8] =	sst s10  }
0x32: {  	s10 =	sld [smem:$0x3FB6];
	_ =	sdelay $0x3  }
0x33: {  	p0 =	seq.s32 s10, $0x1;
	s10 =	sld [smem:$0x3FB8];
	_ =	sdelay $0x3  }
0x34: {  	[smem:$0x3FB8] =	sst s10  }
0x35: {  	s10 =	sld [smem:$0x3FB7];
	_ =	sdelay $0x3  }
0x36: {  	p1 =	seq.s32 s10, $0x1;
	s10 =	sld [smem:$0x3FB8];
	_ =	sdelay $0x3  }
0x37: {  	[smem:$0x3FB8] =	sst s10  }
0x38: {  	s10 =	sld [smem:$0x3FB9]  }
0x39: {  	_ = 	snop;
	(pc) =	sbr.ind lr, $3  }
0x3a: {  	_ = 	snop  }
0x3b: {  	_ = 	snop  }
0x3c: {  	p2 =	seq.s32 s10, $0x1;
	s10 =	sld [smem:$0x3FB8]  }
0x3d: {  	_ =	shalt  }
0x3e: {  	_ =	shalt  }
0x3f: {  	_ =	shalt  }
0x40: {  	_ =	shalt  }
0x41: {  	_ =	shalt  }
0x42: {  	_ =	shalt  }
0x43: {  	_ =	shalt  }
0x44: {  	_ =	shalt  }
0x45: {  	_ =	shalt  }
0x46: {  	_ =	shalt  }
0x47: {  	_ =	shalt  }
0x48: {  	_ =	shalt  }
0x49: {  	_ =	shalt  }
0x4a: {  	_ =	shalt  }
0x4b: {  	_ =	shalt  }
0x4c: {  	_ =	shalt  }
0x4d: {  	_ =	shalt  }
0x4e: {  	_ =	shalt  }
0x4f: {  	_ =	shalt  }
0x50: {  	_ =	shalt  }
0x51: {  	_ =	shalt  }
0x52: {  	_ =	shalt  }
0x53: {  	_ =	shalt  }
0x54: {  	_ =	shalt  }
0x55: {  	_ =	shalt  }
0x56: {  	_ =	shalt  }
0x57: {  	_ =	shalt  }
0x58: {  	_ =	shalt  }
0x59: {  	_ =	shalt  }
0x5a: {  	_ =	shalt  }
0x5b: {  	_ =	shalt  }
0x5c: {  	_ =	shalt  }
0x5d: {  	_ =	shalt  }
0x5e: {  	_ =	shalt  }
0x5f: {  	_ =	shalt  }
0x60: {  	_ =	shalt  }
0x61: {  	_ =	shalt  }
0x62: {  	_ =	shalt  }
0x63: {  	_ =	shalt  }
0x64: {  	_ =	shalt  }
0x65: {  	_ =	shalt  }
0x66: {  	_ =	shalt  }
0x67: {  	_ =	shalt  }
0x68: {  	_ =	shalt  }
0x69: {  	_ =	shalt  }
0x6a: {  	_ =	shalt  }
0x6b: {  	_ =	shalt  }
0x6c: {  	_ =	shalt  }
0x6d: {  	_ =	shalt  }
0x6e: {  	_ =	shalt  }
0x6f: {  	_ =	shalt  }
0x70: {  	_ =	shalt  }
0x71: {  	_ =	shalt  }
0x72: {  	_ =	shalt  }
0x73: {  	_ =	shalt  }
0x74: {  	_ =	shalt  }
0x75: {  	_ =	shalt  }
0x76: {  	_ =	shalt  }
0x77: {  	_ =	shalt  }
0x78: {  	_ =	shalt  }
0x79: {  	_ =	shalt  }
0x7a: {  	_ =	shalt  }
0x7b: {  	_ =	shalt  }
0x7c: {  	_ =	shalt  }
0x7d: {  	_ =	shalt  }
0x7e: {  	_ =	shalt  }
0x7f: {  	_ =	shalt  }
0x80: {  	_ =	shalt  }
0x81: {  	_ =	shalt  }
0x82: {  	_ =	shalt  }
0x83: {  	_ =	shalt  }
0x84: {  	_ =	shalt  }
0x85: {  	_ =	shalt  }
0x86: {  	_ =	shalt  }
0x87: {  	_ =	shalt  }
.Lfunc_end0:
.L_simem_size_0:
called_computation.1_lowered:
.L_overlay_start_0:
0x88: {  	s2 =	sld [smem:$0x3FD9]  }
0x89: {  	s3 =	sld [smem:$0x3FFE];
	_ =	sdelay $0x1  }
0x8a: {  	s1 =	srdreg.scid  }
0x8b: {  	s0 =	sand.u32 $0x1, s1  }
0x8c: {  	s17 =	sshll.u32 s0, $0xA;
	s2 =	sadd.s32 s3, s2  }
0x8d: {  	s2 =	sadd.s32 s2, s17  }
0x8e: {  	[smem:$0x3FC4] =	sst s2  }
0x8f: {  	_ = 	snop  }
0x90: {  	s18 =	sld [smem:$0x3FD0];
	(tm) =	ssettm $0x1  }
0x91: {  	s19 =	sld [smem:$0x3FFB];
	_ =	sdelay $0x3  }
0x92: {  	_ =	strace s19  }
0x93: {  	s2 =	sld [smem:$0x3FFC];
	_ =	sdelay $0x3  }
0x94: {  	_ =	strace s2  }
0x95: {  	s2 =	sld [smem:$0x3FFD];
	_ =	sdelay $0x3  }
0x96: {  	_ =	strace s2  }
0x97: {  	_ =	strace $0x8FFFFFFF  }
0x98: {  	s20 =	sld [smem:$0x3FDB];
	_ =	sdelay $0x1  }
0x99: {  	s4 =	simm.s32 $_scs_section_size  }
0x9a: {  	s5 =	simm.s32 $_size__tile_overlayer_lowered;
	s6 =	simm.s32 $_tile_overlayer_lowered  }
0x9b: {  	s7 =	simm.s32 $0x1BFF;
	s21 =	sshll.u32 s6, $0x1;
	s4 =	sadd.s32 s4, s20  }
0x9c: {  	s22 =	simm.s32 $0x0;
	s5 =	sshll.u32 s5, $0x1;
	s6 =	sadd.s32 s21, s4  }
0x9d: {  	[timem:s22], [sflag:s7] =	dma.local [hbm:s6], s5  }
0x9e: {  	_ =	swait.ge [sflag:s7], s5  }
0x9f: {  	s5 =	ssub.s32 $0x0, s5;
	[sflag:s7] =	ssyncset.done $0x0  }
0xa0: {  	[sflag:s7] =	ssyncadd.s32 s5;
	_ =	sdelay $0x1  }
0xa1: {  	s23 =	simm.s32 $0x1B8B  }
0xa2: {  	_ =	swait.ge [sflag:s23], $0x1  }
0xa3: {  	[sflag:s23] =	ssyncset.done $0x0  }
0xa4: {  	[sflag:s23] =	ssyncadd.s32 $0xFFFFFFFF  }
0xa5: {  	s5 =	sld [smem:$0x0]  }
0xa6: {  	s6 =	sand.u32 $0xFFFFFFFE, s1  }
0xa7: {  	p0 =	sne.s32 s1, s6  }
0xa8: {  	s6 =	sshll.u32 @p0 s6, $0xE  }
0xa9: {  	s6 =	sadd.s32 @p0 $0x11B8D, s6;
	s7 =	sshll.u32 @p0 s5, $0x11  }
0xaa: {  	s6 =	sor.u32 @p0 s7, s6  }
0xab: {  	[sflag:s6] =	ssyncadd.remote.s32 @p0 $0x1;
	_ =	sdelay $0x1  }
0xac: {  	s6 =	simm.s32 @p0 $0x1B8D  }
0xad: {  	_ =	swait.eq @p0 [sflag:s6], $0x1  }
0xae: {  	[sflag:s6] =	ssyncadd.s32 @p0 $0xFFFFFFFF  }
0xaf: {  	s7 =	sshll.u32 @!p0 s1, $0xE  }
0xb0: {  	s7 =	sor.u32 @!p0 $0x4000, s7;
	s6 =	simm.s32 @!p0 $0x1B8D  }
0xb1: {  	s5 =	sshll.u32 @!p0 s5, $0x11;
	s7 =	sadd.s32 @!p0 $0x11B8D, s7;
	_ =	swait.eq @!p0 [sflag:s6], $0x1  }
0xb2: {  	s5 =	sor.u32 @!p0 s5, s7;
	[sflag:s6] =	ssyncadd.s32 @!p0 $0xFFFFFFFF  }
0xb3: {  	s25 =	simm.s32 $0x1B8E;
	s24 =	sld [smem:$0x3FFE];
	[sflag:s5] =	ssyncadd.remote.s32 @!p0 $0x1  }
0xb4: {  	s26 =	simm.s32 $execute0_lowered;
	[smem:$0x3FD2] =	sst s25  }
0xb5: {  	s6 =	sshll.u32 s26, $0x1;
	_ =	strace $0x80000049;
	[dreg:$0x1] =	wrdreg $0xFFFFFFFF  }
0xb6: {  	s28 =	simm.s32 $_size_execute0_lowered;
	s4 =	sadd.s32 s4, s6;
	[dreg:$0x0] =	wrdreg $0x0  }
0xb7: {  	s6 =	sshll.u32 s28, $0x1;
	[dreg:$0x2] =	wrdreg s4  }
0xb8: {  	[dreg:$0x3] =	wrdreg s6  }
0xb9: {  	[dreg:$0x4] =	wrdreg $0xC0  }
0xba: {  	_ =	task [dreg:s22], $0x5FFFF  }
0xbb: {  	[dreg:$0x1] =	wrdreg $0xFFFFFFFF  }
0xbc: {  	[dreg:$0x0] =	wrdreg $0x60  }
0xbd: {  	[dreg:$0x2] =	wrdreg s18  }
0xbe: {  	[dreg:$0x3] =	wrdreg s24  }
0xbf: {  	[dreg:$0x4] =	wrdreg $0xA  }
0xc0: {  	_ =	task.clear_ibuf [dreg:s22], $0x5FFFF;
	_ =	strace $0x90000049  }
0xc1: {  	s29 =	simm.s32 $0xA;
	_ =	strace $0x8000004B  }
0xc2: {  	_ =	swait.ge [sflag:s29], $0x1  }
0xc3: {  	[sflag:s29] =	ssyncadd.s32 $0xFFFFFFFF  }
0xc4: {  	_ =	strace $0x9000004B  }
0xc5: {  	_ =	sfence  }
0xc6: {  	s30 =	sld [smem:$0x0];
	_ =	sdelay $0x2  }
0xc7: {  	s31 =	sshll.u32 s1, $0xD;
	s1 =	sshrl.u32 s1, $0x2  }
0xc8: {  	s4 =	sand.u32 $0x4000, s31;
	s1 =	sadd.s32 s1, s30  }
0xc9: {  	s0 =	sor.u32 s4, s0;
	s1 =	sshll.u32 s1, $0x11  }
0xca: {  	s0 =	sor.u32 s1, s0  }
0xcb: {  	s0 =	sadd.s32 $0x8F2B, s0  }
0xcc: {  	[sflag:s0] =	ssyncadd.remote.s32 $0x1  }
0xcd: {  	_ =	sfence.sel $0xFFFF  }
0xce: {  	[dreg:$0x0] =	wrdreg $0xFFFFFFFF;
	(pc) =	sbr.abs _section_cstart, $3  }
0xcf: {  	[dreg:$0x1] =	wrdreg $0xFFFFFFFF  }
0xd0: {  	_ =	task.clear_ibuf [dreg:s22], $0x2FFFF;
	_ =	strace $0x9FFFFFFF  }
0xd1: {  	(tm) =	ssettm $0x7FFFFFFF  }
tec
execute0_lowered:
.L_overlay_start_1:
0x0: {  	(tag) =	ssettag $0x1  }
0x1: {  	s1 =	srdreg.scid;
	s0 =	stileid.u32  }
0x2: {  	s16 =	sand.u32 $0x1, s1;
	s26 =	sshll.u32 s0, $0x1  }
0x3: {  	s2 =	rddreg [dreg:$0x0];
	s8 =	sor.u32 s16, s26  }
0x4: {  	s9 =	rddreg [dreg:$0x1];
	s17 =	smul.u32 $0x61A8, s8  }
0x5: {  	s3 =	simm.s32 $0x0;
	s1 =	rddreg [dreg:$0x2]  }
0x6: {  	[smem:$0x7FF] =	sst s3;
	s15 =	sadd.s32 $0x61CE00, s9;
	s4 =	sshrl.u32 s17, $0x3  }
0x7: {  	_ =	strace $0x8000004A;
	s5 =	sadd.s32 s15, s4;
	s4 =	simm.s32 $0x2  }
0x8: {  	[tilespmem:s3], [sflag:$0x2] =	stream.linear.gather [hbm4b:s5+s3], $0x1388, $0x38;
	[tilespmem:$0x14C08] =	vst v63  }
0x9: {  	_ =	swait.ge [sflag:s4], $0x1388  }
0xa: {  	[sflag:s4] =	ssyncset.done $0x0  }
0xb: {  	s6 =	simm.s32 $0x1388;
	s7 =	simm.s32 $0x1;
	[sflag:s4] =	ssyncadd.s32 $0xFFFFEC78  }
0xc: {  	[tilespmem:s6], [sflag:$0x1] =	stream.indirect.gather [hbm4b:s2+s6], $0x10, s3, s6, $0xb8;
	[tilespmem:$0x14C08] =	vst v63  }
0xd: {  	s8 =	smul.u32 $0xC350, s8;
	_ =	swait.ge [sflag:s7], $0x13880  }
0xe: {  	s18 =	sadd.s32 $0x635600, s9;
	[sflag:s7] =	ssyncset.done $0x0  }
0xf: {  	s8 =	sadd.s32 s18, s8;
	[sflag:s7] =	ssyncadd.s32 $0xFFFEC780  }
0x10: {  	[hbm4b:s8+s3] =	stream.linear.scatter [tilespmem:s6], [sflag:$0x2], $0x13880, $0x38;
	[tilespmem:$0x14C08] =	vst v63  }
0x11: {  	s10 =	sadd.s32 $0x1388, s17;
	_ =	swait.ge [sflag:s4], $0x13880  }
0x12: {  	s28 =	sshrl.u32 s10, $0x3;
	[sflag:s4] =	ssyncset.done $0x0  }
0x13: {  	s9 =	sadd.s32 s15, s28;
	[sflag:s4] =	ssyncadd.s32 $0xFFFEC780  }
0x14: {  	[tilespmem:s3], [sflag:$0x2] =	stream.linear.gather [hbm4b:s9+s3], $0x1388, $0x38;
	[tilespmem:$0x14C08] =	vst v63  }
0x15: {  	_ =	swait.ge [sflag:s4], $0x1388  }
0x16: {  	[sflag:s4] =	ssyncset.done $0x0  }
0x17: {  	[sflag:s4] =	ssyncadd.s32 $0xFFFFEC78  }
0x18: {  	[tilespmem:s6], [sflag:$0x1] =	stream.indirect.gather [hbm4b:s2+s6], $0x10, s3, s6, $0xb8;
	[tilespmem:$0x14C08] =	vst v63  }
0x19: {  	_ =	swait.ge [sflag:s7], $0x13880  }
0x1a: {  	s10 =	sshll.u32 s10, $0x1;
	[sflag:s7] =	ssyncset.done $0x0  }
0x1b: {  	s10 =	sadd.s32 s18, s10;
	[sflag:s7] =	ssyncadd.s32 $0xFFFEC780  }
0x1c: {  	[hbm4b:s10+s3] =	stream.linear.scatter [tilespmem:s6], [sflag:$0x2], $0x13880, $0x38;
	[tilespmem:$0x14C08] =	vst v63  }
0x1d: {  	s12 =	sadd.s32 $0x2710, s17;
	_ =	swait.ge [sflag:s4], $0x13880  }
0x1e: {  	s11 =	sshrl.u32 s12, $0x3;
	[sflag:s4] =	ssyncset.done $0x0  }
0x1f: {  	s11 =	sadd.s32 s15, s11;
	[sflag:s4] =	ssyncadd.s32 $0xFFFEC780  }
0x20: {  	[tilespmem:s3], [sflag:$0x2] =	stream.linear.gather [hbm4b:s11+s3], $0x1388, $0x38;
	[tilespmem:$0x14C08] =	vst v63  }
0x21: {  	_ =	swait.ge [sflag:s4], $0x1388  }
0x22: {  	[sflag:s4] =	ssyncset.done $0x0  }
0x23: {  	[sflag:s4] =	ssyncadd.s32 $0xFFFFEC78  }
0x24: {  	[tilespmem:s6], [sflag:$0x1] =	stream.indirect.gather [hbm4b:s2+s6], $0x10, s3, s6, $0xb8;
	[tilespmem:$0x14C08] =	vst v63  }
0x25: {  	_ =	swait.ge [sflag:s7], $0x13880  }
0x26: {  	s12 =	sshll.u32 s12, $0x1;
	[sflag:s7] =	ssyncset.done $0x0  }
0x27: {  	s12 =	sadd.s32 s18, s12;
	[sflag:s7] =	ssyncadd.s32 $0xFFFEC780  }
0x28: {  	[hbm4b:s12+s3] =	stream.linear.scatter [tilespmem:s6], [sflag:$0x2], $0x13880, $0x38;
	[tilespmem:$0x14C08] =	vst v63  }
0x29: {  	s14 =	sadd.s32 $0x3A98, s17;
	_ =	swait.ge [sflag:s4], $0x13880  }
0x2a: {  	s13 =	sshrl.u32 s14, $0x3;
	[sflag:s4] =	ssyncset.done $0x0  }
0x2b: {  	s13 =	sadd.s32 s15, s13;
	[sflag:s4] =	ssyncadd.s32 $0xFFFEC780  }
0x2c: {  	[tilespmem:s3], [sflag:$0x2] =	stream.linear.gather [hbm4b:s13+s3], $0x1388, $0x38;
	[tilespmem:$0x14C08] =	vst v63  }
0x2d: {  	_ =	swait.ge [sflag:s4], $0x1388  }
0x2e: {  	[sflag:s4] =	ssyncset.done $0x0  }
0x2f: {  	[sflag:s4] =	ssyncadd.s32 $0xFFFFEC78  }
0x30: {  	[tilespmem:s6], [sflag:$0x1] =	stream.indirect.gather [hbm4b:s2+s6], $0x10, s3, s6, $0xb8;
	[tilespmem:$0x14C08] =	vst v63  }
0x31: {  	_ =	swait.ge [sflag:s7], $0x13880  }
0x32: {  	s14 =	sshll.u32 s14, $0x1;
	[sflag:s7] =	ssyncset.done $0x0  }
0x33: {  	s14 =	sadd.s32 s18, s14;
	[sflag:s7] =	ssyncadd.s32 $0xFFFEC780  }
0x34: {  	[hbm4b:s14+s3] =	stream.linear.scatter [tilespmem:s6], [sflag:$0x2], $0x13880, $0x38;
	[tilespmem:$0x14C08] =	vst v63  }
0x35: {  	s17 =	sadd.s32 $0x4E20, s17;
	_ =	swait.ge [sflag:s4], $0x13880  }
0x36: {  	s19 =	sshrl.u32 s17, $0x3;
	[sflag:s4] =	ssyncset.done $0x0  }
0x37: {  	s16 =	ssub.s32 $0x2, s16;
	s15 =	sadd.s32 s15, s19;
	[sflag:s4] =	ssyncadd.s32 $0xFFFEC780  }
0x38: {  	[tilespmem:s3], [sflag:$0x2] =	stream.linear.gather [hbm4b:s15+s3], $0x1388, $0x38;
	[tilespmem:$0x14C08] =	vst v63  }
0x39: {  	s29 =	sshrl.u32 s16, $0x1;
	_ =	swait.ge [sflag:s4], $0x1388  }
0x3a: {  	s19 =	ssub.s32 s16, s29;
	[sflag:s4] =	ssyncset.done $0x0  }
0x3b: {  	s31 =	smax.u32 s19, $0x1;
	[sflag:s4] =	ssyncadd.s32 $0xFFFFEC78  }
0x3c: {  	[tilespmem:s6], [sflag:$0x1] =	stream.indirect.gather [hbm4b:s2+s6], $0x10, s3, s6, $0xb8;
	[tilespmem:$0x14C08] =	vst v63  }
0x3d: {  	p0 =	sne.s32 s31, $0x1;
	_ =	swait.ge [sflag:s7], $0x13880  }
.Ltmp0:
0x3e: {  	s30 =	sshll.u32 s17, $0x1;
	[sflag:s7] =	ssyncset.done $0x0;
	(pc) =	sbr.rel @!p0 .LBB2_2-.Ltmp0, $4  }
0x3f: {  	s16 =	sadd.s32 s18, s30;
	[sflag:s7] =	ssyncadd.s32 $0xFFFEC780  }
0x40: {  	[hbm4b:s16+s3] =	stream.linear.scatter [tilespmem:s6], [sflag:$0x2], $0x13880, $0x38;
	[tilespmem:$0x14C08] =	vst v63  }
0x41: {  	_ =	swait.ge [sflag:s4], $0x13880  }
0x42: {  	s17 =	sadd.s32 $0xFFFFFFFF, s31;
	[sflag:s4] =	ssyncset.done $0x0  }
.LBB2_1:
0x43: {  	p0 =	sne.s32 s17, $0x1;
	s17 =	sadd.s32 $0xFFFFFFFF, s17;
	[sflag:s4] =	ssyncadd.s32 $0xFFFEC780  }
0x44: {  	[tilespmem:s3], [sflag:$0x2] =	stream.linear.gather [hbm4b:s5+s3], $0x1388, $0x38;
	[tilespmem:$0x14C08] =	vst v63  }
0x45: {  	_ =	swait.ge [sflag:s4], $0x1388  }
0x46: {  	[sflag:s4] =	ssyncset.done $0x0  }
0x47: {  	[sflag:s4] =	ssyncadd.s32 $0xFFFFEC78  }
0x48: {  	[tilespmem:s6], [sflag:$0x1] =	stream.indirect.gather [hbm4b:s2+s6], $0x10, s3, s6, $0xb8;
	[tilespmem:$0x14C08] =	vst v63  }
0x49: {  	_ =	swait.ge [sflag:s7], $0x13880  }
0x4a: {  	[sflag:s7] =	ssyncset.done $0x0  }
0x4b: {  	[sflag:s7] =	ssyncadd.s32 $0xFFFEC780  }
0x4c: {  	[hbm4b:s8+s3] =	stream.linear.scatter [tilespmem:s6], [sflag:$0x2], $0x13880, $0x38;
	[tilespmem:$0x14C08] =	vst v63  }
0x4d: {  	_ =	swait.ge [sflag:s4], $0x13880  }
0x4e: {  	[sflag:s4] =	ssyncset.done $0x0  }
0x4f: {  	[sflag:s4] =	ssyncadd.s32 $0xFFFEC780  }
0x50: {  	[tilespmem:s3], [sflag:$0x2] =	stream.linear.gather [hbm4b:s9+s3], $0x1388, $0x38;
	[tilespmem:$0x14C08] =	vst v63  }
0x51: {  	_ =	swait.ge [sflag:s4], $0x1388  }
0x52: {  	[sflag:s4] =	ssyncset.done $0x0  }
0x53: {  	[sflag:s4] =	ssyncadd.s32 $0xFFFFEC78  }
0x54: {  	[tilespmem:s6], [sflag:$0x1] =	stream.indirect.gather [hbm4b:s2+s6], $0x10, s3, s6, $0xb8;
	[tilespmem:$0x14C08] =	vst v63  }
0x55: {  	_ =	swait.ge [sflag:s7], $0x13880  }
0x56: {  	[sflag:s7] =	ssyncset.done $0x0  }
0x57: {  	[sflag:s7] =	ssyncadd.s32 $0xFFFEC780  }
0x58: {  	[hbm4b:s10+s3] =	stream.linear.scatter [tilespmem:s6], [sflag:$0x2], $0x13880, $0x38;
	[tilespmem:$0x14C08] =	vst v63  }
0x59: {  	_ =	swait.ge [sflag:s4], $0x13880  }
0x5a: {  	[sflag:s4] =	ssyncset.done $0x0  }
0x5b: {  	[sflag:s4] =	ssyncadd.s32 $0xFFFEC780  }
0x5c: {  	[tilespmem:s3], [sflag:$0x2] =	stream.linear.gather [hbm4b:s11+s3], $0x1388, $0x38;
	[tilespmem:$0x14C08] =	vst v63  }
0x5d: {  	_ =	swait.ge [sflag:s4], $0x1388  }
0x5e: {  	[sflag:s4] =	ssyncset.done $0x0  }
0x5f: {  	[sflag:s4] =	ssyncadd.s32 $0xFFFFEC78  }
0x60: {  	[tilespmem:s6], [sflag:$0x1] =	stream.indirect.gather [hbm4b:s2+s6], $0x10, s3, s6, $0xb8;
	[tilespmem:$0x14C08] =	vst v63  }
0x61: {  	_ =	swait.ge [sflag:s7], $0x13880  }
0x62: {  	[sflag:s7] =	ssyncset.done $0x0  }
0x63: {  	[sflag:s7] =	ssyncadd.s32 $0xFFFEC780  }
0x64: {  	[hbm4b:s12+s3] =	stream.linear.scatter [tilespmem:s6], [sflag:$0x2], $0x13880, $0x38;
	[tilespmem:$0x14C08] =	vst v63  }
0x65: {  	_ =	swait.ge [sflag:s4], $0x13880  }
0x66: {  	[sflag:s4] =	ssyncset.done $0x0  }
0x67: {  	[sflag:s4] =	ssyncadd.s32 $0xFFFEC780  }
0x68: {  	[tilespmem:s3], [sflag:$0x2] =	stream.linear.gather [hbm4b:s13+s3], $0x1388, $0x38;
	[tilespmem:$0x14C08] =	vst v63  }
0x69: {  	_ =	swait.ge [sflag:s4], $0x1388  }
0x6a: {  	[sflag:s4] =	ssyncset.done $0x0  }
0x6b: {  	[sflag:s4] =	ssyncadd.s32 $0xFFFFEC78  }
0x6c: {  	[tilespmem:s6], [sflag:$0x1] =	stream.indirect.gather [hbm4b:s2+s6], $0x10, s3, s6, $0xb8;
	[tilespmem:$0x14C08] =	vst v63  }
0x6d: {  	_ =	swait.ge [sflag:s7], $0x13880  }
0x6e: {  	[sflag:s7] =	ssyncset.done $0x0  }
0x6f: {  	[sflag:s7] =	ssyncadd.s32 $0xFFFEC780  }
0x70: {  	[hbm4b:s14+s3] =	stream.linear.scatter [tilespmem:s6], [sflag:$0x2], $0x13880, $0x38;
	[tilespmem:$0x14C08] =	vst v63  }
0x71: {  	_ =	swait.ge [sflag:s4], $0x13880  }
0x72: {  	[sflag:s4] =	ssyncset.done $0x0  }
0x73: {  	[sflag:s4] =	ssyncadd.s32 $0xFFFEC780  }
0x74: {  	[tilespmem:s3], [sflag:$0x2] =	stream.linear.gather [hbm4b:s15+s3], $0x1388, $0x38;
	[tilespmem:$0x14C08] =	vst v63  }
0x75: {  	_ =	swait.ge [sflag:s4], $0x1388  }
0x76: {  	[sflag:s4] =	ssyncset.done $0x0  }
0x77: {  	[sflag:s4] =	ssyncadd.s32 $0xFFFFEC78  }
0x78: {  	[tilespmem:s6], [sflag:$0x1] =	stream.indirect.gather [hbm4b:s2+s6], $0x10, s3, s6, $0xb8;
	[tilespmem:$0x14C08] =	vst v63  }
0x79: {  	_ =	swait.ge [sflag:s7], $0x13880  }
.Ltmp1:
0x7a: {  	[sflag:s7] =	ssyncset.done $0x0;
	(pc) =	sbr.rel @p0 .LBB2_1-.Ltmp1, $4  }
0x7b: {  	[sflag:s7] =	ssyncadd.s32 $0xFFFEC780  }
0x7c: {  	[hbm4b:s16+s3] =	stream.linear.scatter [tilespmem:s6], [sflag:$0x2], $0x13880, $0x38;
	[tilespmem:$0x14C08] =	vst v63  }
0x7d: {  	_ =	swait.ge [sflag:s4], $0x13880  }
0x7e: {  	[sflag:s4] =	ssyncset.done $0x0  }
.LBB2_2:
0x7f: {  	[sflag:s4] =	ssyncadd.s32 $0xFFFEC780  }
0x80: {  	_ =	sfence.sel $0x180000  }
0x81: {  	[bflag:$0x0] =	sbarrier.arrive $0xFFFF  }
0x82: {  	p0 =	sne.s32 s0, $0x0;
	_ =	strace $0x9000004A  }
0x83: {  	s0 =	sadd.s32 @!p0 $0x100000, s1;
	[bflag:$0x2] =	sbarrier.arrive $0xFFFF  }
0x84: {  	[sflag:s0] =	ssyncadd.tile.s32 @!p0 $0x1;
	_ =	shalt  }
.Lfunc_end2:
_tile_overlayer_lowered:
.L_overlay_start_2:
0x85: {  	(tag) =	ssettag $0x2  }
0x86: {  	s0 =	rddreg [dreg:$0x0];
	s2 =	stileid.u32  }
0x87: {  	s1 =	rddreg [dreg:$0x1];
	p0 =	sne.s32 s2, $0x0  }
0x88: {  	s3 =	rddreg [dreg:$0x2];
	[bflag:$0x3] =	sbarrier.arrive $0xFFFF;
	s2 =	simm.s32 @!p0 $0x1C02  }
0x89: {  	[timem:s3], [sflag:s2] =	dma.local @!p0 [hbm:s0], s1  }
0x8a: {  	s0 =	simm.s32 @!p0 $0x2  }
0x8b: {  	_ =	swait.ge @!p0 [sflag:s0], s1  }
0x8c: {  	s1 =	ssub.s32 @!p0 $0x0, s1;
	[sflag:s0] =	ssyncset.done @!p0 $0x0  }
0x8d: {  	[sflag:s0] =	ssyncadd.s32 @!p0 s1  }
0x8e: {  	[bflag:$0x3] =	sbarrier.arrive $0xFFFF  }
0x8f: {  	_ =	shalt  }

// kernel: sparse-core-data-format-call.cloned.1.call-start
scs
called_computation_lowered:
.L_overlay_start_0:
0x0: {  	s2 =	sld [smem:$0x3FD9]  }
0x1: {  	s3 =	sld [smem:$0x3FFE];
	_ =	sdelay $0x1  }
0x2: {  	s1 =	srdreg.scid  }
0x3: {  	s0 =	sand.u32 $0x1, s1  }
0x4: {  	s18 =	sshll.u32 s0, $0xA;
	s2 =	sadd.s32 s3, s2  }
0x5: {  	s2 =	sadd.s32 s2, s18  }
0x6: {  	[smem:$0x3FC4] =	sst s2  }
0x7: {  	_ = 	snop  }
0x8: {  	s2 =	sld [smem:$0x3FC7];
	(tm) =	ssettm $0x1  }
0x9: {  	s19 =	sld [smem:$0x3FFB];
	_ =	sdelay $0x3  }
0xa: {  	_ =	strace s19  }
0xb: {  	s3 =	sld [smem:$0x3FFC];
	_ =	sdelay $0x3  }
0xc: {  	_ =	strace s3  }
0xd: {  	s3 =	sld [smem:$0x3FFD];
	_ =	sdelay $0x3  }
0xe: {  	_ =	strace s3  }
0xf: {  	_ =	strace $0x8FFFFFFF  }
0x10: {  	s20 =	sld [smem:$0x3FDB];
	_ =	sdelay $0x1  }
0x11: {  	s4 =	simm.s32 $_scs_section_size  }
0x12: {  	s5 =	simm.s32 $_size__tile_overlayer_lowered;
	s6 =	simm.s32 $_tile_overlayer_lowered  }
0x13: {  	s23 =	simm.s32 $0x1BFF;
	s22 =	sshll.u32 s6, $0x1;
	s3 =	sadd.s32 s4, s20  }
0x14: {  	s7 =	simm.s32 $0x0;
	s21 =	sshll.u32 s5, $0x1;
	s5 =	sadd.s32 s22, s3  }
0x15: {  	[timem:s7], [sflag:s23] =	dma.local [hbm:s5], s21  }
0x16: {  	_ =	swait.ge [sflag:s23], s21  }
0x17: {  	s4 =	ssub.s32 $0x0, s21;
	[sflag:s23] =	ssyncset.done $0x0  }
0x18: {  	[sflag:s23] =	ssyncadd.s32 s4;
	_ =	sdelay $0x1  }
0x19: {  	s24 =	simm.s32 $0x1B8B  }
0x1a: {  	_ =	swait.ge [sflag:s24], $0x1  }
0x1b: {  	[sflag:s24] =	ssyncset.done $0x0  }
0x1c: {  	s26 =	simm.s32 $0x1B8E;
	s25 =	sld [smem:$0x3FFE];
	[sflag:s24] =	ssyncadd.s32 $0xFFFFFFFF  }
0x1d: {  	s27 =	simm.s32 $execute0_lowered;
	[smem:$0x3FD2] =	sst s26  }
0x1e: {  	s5 =	sshll.u32 s27, $0x1;
	_ =	strace $0x80000046;
	[dreg:$0x1] =	wrdreg $0xFFFFFFFF  }
0x1f: {  	s28 =	simm.s32 $_size_execute0_lowered;
	s3 =	sadd.s32 s3, s5;
	[dreg:$0x0] =	wrdreg $0x0  }
0x20: {  	s5 =	sshll.u32 s28, $0x1;
	[dreg:$0x2] =	wrdreg s3  }
0x21: {  	[dreg:$0x3] =	wrdreg s5  }
0x22: {  	[dreg:$0x4] =	wrdreg $0xC0  }
0x23: {  	_ =	task [dreg:s7], $0x5FFFF  }
0x24: {  	[dreg:$0x1] =	wrdreg $0xFFFFFFFF  }
0x25: {  	[dreg:$0x0] =	wrdreg $0x60  }
0x26: {  	[dreg:$0x2] =	wrdreg s2  }
0x27: {  	[dreg:$0x3] =	wrdreg s25  }
0x28: {  	[dreg:$0x4] =	wrdreg $0x9  }
0x29: {  	_ =	task.clear_ibuf [dreg:s7], $0x5FFFF;
	_ =	strace $0x90000046  }
0x2a: {  	s29 =	simm.s32 $0x9;
	_ =	strace $0x80000048  }
0x2b: {  	_ =	swait.ge [sflag:s29], $0x1  }
0x2c: {  	[sflag:s29] =	ssyncadd.s32 $0xFFFFFFFF  }
0x2d: {  	_ =	strace $0x90000048  }
0x2e: {  	_ =	sfence  }
0x2f: {  	s30 =	sld [smem:$0x0];
	_ =	sdelay $0x2  }
0x30: {  	s31 =	sshll.u32 s1, $0xD;
	s1 =	sshrl.u32 s1, $0x2  }
0x31: {  	s3 =	sand.u32 $0x4000, s31;
	s1 =	sadd.s32 s1, s30  }
0x32: {  	s0 =	sor.u32 s3, s0;
	s1 =	sshll.u32 s1, $0x11  }
0x33: {  	s0 =	sor.u32 s1, s0  }
0x34: {  	s0 =	sadd.s32 $0x8F2B, s0  }
0x35: {  	[sflag:s0] =	ssyncadd.remote.s32 $0x1  }
0x36: {  	_ =	sfence.sel $0xFFFF  }
0x37: {  	[dreg:$0x0] =	wrdreg $0xFFFFFFFF;
	(pc) =	sbr.abs _section_cstart, $3  }
0x38: {  	[dreg:$0x1] =	wrdreg $0xFFFFFFFF  }
0x39: {  	_ =	task.clear_ibuf [dreg:s7], $0x2FFFF;
	_ =	strace $0x9FFFFFFF  }
0x3a: {  	(tm) =	ssettm $0x7FFFFFFF  }
0x3b: {  	_ =	shalt  }
tec
execute0_lowered:
.L_overlay_start_1:
0x0: {  	(tag) =	ssettag $0x1  }
0x1: {  	s0 =	stileid.u32  }
0x2: {  	s1 =	srdreg.scid;
	s7 =	rddreg [dreg:$0x1];
	s8 =	simm.s32 $0x2  }
0x3: {  	s2 =	sshll.u32 s0, $0x3;
	s3 =	sshll.u32 s0, $0x6;
	s4 =	sshll.u32 s1, $0xA  }
0x4: {  	s17 =	simm.s32 $0x0;
	s1 =	sand.u32 $0x8, s2;
	s29 =	sor.u32 s3, s4  }
0x5: {  	s9 =	simm.s32 $0x30E00;
	s2 =	sand.u32 $0x780, s29;
	s30 =	ssub.s32 $0x10, s1  }
0x6: {  	s10 =	simm.s32 $0x0;
	s31 =	sshrl.u32 s30, $0x3;
	s5 =	ssub.s32 $0xC300, s2  }
0x7: {  	s3 =	sshrl.u32 s30, $0x4;
	s6 =	sand.u32 $0x1, s31;
	s5 =	sshrl.u32 s5, $0xB  }
0x8: {  	s16 =	simm.s32 $0x0;
	s3 =	sadd.s32 s3, s6;
	s5 =	sadd.s32 $0x1, s5  }
0x9: {  	s19 =	simm.s32 $0x0;
	s18 =	simm.s32 $0x0;
	s6 =	smul.u32 s5, s3  }
.Ltmp0:
0xa: {  	s13 =	simm.s32 $0x0;
	s4 =	rddreg [dreg:$0x0];
	(pc) =	sbr.rel .LBB1_1-.Ltmp0, $4  }
0xb: {  	s14 =	simm.s32 $0x0;
	s15 =	simm.s32 $0x0;
	s3 =	rddreg [dreg:$0x2]  }
0xc: {  	_ =	strace $0x80000047;
	s5 =	simm.s32 $0x1;
	s6 =	smul.u32 $0x3, s6  }
0xd: {  	s7 =	sadd.s32 $0xE00, s7;
	s12 =	smov.u32 s1;
	[sflag:s5] =	ssyncpa.u1 $0x0  }
0xe: {  	s11 =	smov.u32 s2;
	[sflag:s8] =	ssyncpa.u1 $0x0;
	s8 =	sadd.s32 $0x1, s6  }
.LBB1_7:
0xf: {  	s20 =	sadd.s32 $0x800, s11  }
0x10: {  	s16 =	sadd.s32 $0x10, s12;
	s21 =	smov.u32 s12;
	p1 =	sgt.s32 s20, $0xC34F  }
0x11: {  	s21 =	smov.u32 @p1 s16  }
0x12: {  	s16 =	simm.s32 $0x1;
	p2 =	sgt.s32 s21, $0xF  }
0x13: {  	s16 =	simm.s32 @!p2 $0x0  }
0x14: {  	s22 =	sadd.s32 s16, s13  }
0x15: {  	s23 =	smov.u32 s14;
	s16 =	sadd.s32 $0x10, s14;
	p3 =	sgt.s32 s22, $0x2  }
0x16: {  	p0 =	slt.u32 s15, $0x2;
	s23 =	smov.u32 @p3 s16  }
0x17: {  	s17 =	smov.u32 s11;
	s20 =	smov.u32 @p1 s2;
	p1 =	sgt.s32 s23, $0xF  }
0x18: {  	s24 =	simm.s32 @!p0 $0x2;
	s23 =	simm.s32 @p1 $0x0;
	p1 =	sne.s32 s15, s8  }
.Ltmp1:
0x19: {  	s19 =	smov.u32 s13;
	_ =	swait.ge @!p0 [sflag:s24], $0x4000;
	(pc) =	sbr.rel @!p1 .LBB1_8-.Ltmp1, $4  }
0x1a: {  	s18 =	smov.u32 s14;
	s10 =	sadd.s32 $0x4000, s10;
	[sflag:s24] =	ssyncset.done @!p0 $0x0  }
0x1b: {  	s11 =	smov.u32 s20;
	s21 =	smov.u32 @p2 s1;
	[sflag:s24] =	ssyncadd.s32 @!p0 $0xFFFFC000  }
0x1c: {  	s22 =	simm.s32 @p3 $0x0;
	s16 =	smov.u32 s12;
	s12 =	smov.u32 s21  }
0x1d: {  	s13 =	smov.u32 s22;
	s15 =	sadd.s32 $0x1, s15;
	s14 =	smov.u32 s23  }
.LBB1_1:
0x1e: {  	p0 =	sge.u32 s15, s6  }
0x1f: {  	s20 =	sshrl.u32 @!p0 s12, $0x3  }
0x20: {  	s21 =	sshll.u32 @!p0 s11, $0x3;
	s20 =	smul.u32 @!p0 $0x61C00, s20  }
0x21: {  	s22 =	sshll.u32 @!p0 s12, $0x7;
	s21 =	sand.u32 @!p0 $0xFFFFFC00, s21  }
0x22: {  	s20 =	sadd.s32 @!p0 s20, s21;
	s21 =	sand.u32 @!p0 $0x380, s22  }
0x23: {  	s22 =	sand.u32 @!p0 $0x7F, s11;
	s20 =	sor.u32 @!p0 s21, s20  }
0x24: {  	s21 =	sor.u32 @!p0 s22, s20  }
0x25: {  	s22 =	smulhi.u32 @!p0 $0xA79C7B17, s21  }
0x26: {  	s20 =	smulhi.u32 @!p0 $0xA79C7B17, s20  }
0x27: {  	s31 =	sadd.s32 $0xFFFFFFFF, s15;
	s24 =	smul.u32 @!p0 $0x49500, s14;
	s22 =	sshrl.u32 @!p0 s22, $0xF  }
0x28: {  	s23 =	sxor.u32 @!p0 $0xFFFFFFFF, s15;
	s20 =	sshrl.u32 @!p0 s20, $0xF;
	s22 =	smul.u32 @!p0 $0xC380, s22  }
0x29: {  	s25 =	smul.u32 @!p0 $0x18700, s13;
	s23 =	sshll.u32 @!p0 s23, $0xE;
	s20 =	sand.u32 @!p0 $0xF, s20  }
0x2a: {  	s20 =	smul.u32 @!p0 $0x1870, s20;
	s21 =	ssub.s32 @!p0 s21, s22;
	s22 =	sadd.s32 @!p0 s4, s24  }
0x2b: {  	s23 =	sand.u32 @!p0 $0x4000, s23;
	s22 =	sadd.s32 @!p0 s25, s22;
	s24 =	sand.u32 @!p0 $0x7, s21  }
0x2c: {  	s21 =	sshrl.u32 @!p0 s21, $0x3;
	s20 =	sadd.s32 @!p0 s20, s22;
	s22 =	sshll.u32 @!p0 s24, $0x12  }
0x2d: {  	s20 =	sadd.s32 @!p0 s21, s20;
	s21 =	sor.u32 @!p0 $0x400, s22;
	s22 =	simm.s32 @!p0 $0x24A800  }
0x2e: {  	[tilespmem:s23], [sflag:$0x1] =	stream.strided.gather @!p0 [hbm4b:s20+s21], $0x4000, s22, s21, $0x38;
	[tilespmem:$0x10000] =	vst v63  }
0x2f: {  	p0 =	sge.u32 s31, s6  }
.Ltmp2:
0x30: {  	_ = 	snop;
	(pc) =	sbr.rel @p0 .LBB1_7-.Ltmp2, $1  }
0x31: {  	_ =	sdelay $0x3  }
0x32: {  	s20 =	sand.u32 $0x4000, s10  }
0x33: {  	_ =	swait.ge [sflag:s5], $0x4000;
	s23 =	sshll.u32 s15, $0xE;
	s21 =	sor.u32 $0x8040, s20  }
0x34: {  	s22 =	sor.u32 $0x40, s20;
	[sflag:s5] =	ssyncset.done $0x0;
	s31 =	sand.u32 $0x4000, s23  }
0x35: {  	s23 =	simm.s32 $0x0;
	[sflag:s5] =	ssyncadd.s32 $0xFFFFC000;
	s20 =	sor.u32 $0x8000, s31  }
.LBB1_3:
0x36: {  	v0 =	vmov s22;
	_ =	sdelay $0x3  }
0x37: {  	s25 =	simm.s32 $0x0  }
0x38: {  	v6 =	vld.idx.msk [tilespmem:v0+s25+$0x30 ss:$0x1], $0xffff  }
0x39: {  	v7 =	vld.idx.msk [tilespmem:v0+s25+$0xFFFFFFC0 ss:$0x1], $0xffff  }
0x3a: {  	v5 =	vld.idx.msk [tilespmem:v0+s25+$0xFFFFFFD0 ss:$0x1], $0xffff  }
0x3b: {  	v4 =	vld.idx.msk [tilespmem:v0+s25+$0xFFFFFFE0 ss:$0x1], $0xffff  }
0x3c: {  	v3 =	vld.idx.msk [tilespmem:v0+s25+$0xFFFFFFF0 ss:$0x1], $0xffff  }
0x3d: {  	v1 =	vld.idx.msk [tilespmem:v0+s25+$0x0 ss:$0x1], $0xffff  }
0x3e: {  	v2 =	vld.idx.msk [tilespmem:v0+s25+$0x10 ss:$0x1], $0xffff;
	[tilespmem:s21+$0x30] =	vst v6  }
0x3f: {  	s24 =	simm.s32 $0x80;
	s26 =	simm.s32 $0x400;
	[tilespmem:s21+$0xFFFFFFC0] =	vst v7;
	v6 =	vld.idx.msk [tilespmem:v0+s25+$0x20 ss:$0x1], $0xffff;
	s25 =	smov.u32 s21  }
.LBB1_4:
0x40: {  	p0 =	sne.s32 s26, $0xE00;
	v7 =	vld.idx.msk [tilespmem:v0+s24+$0x30 ss:$0x1], $0xffff;
	[tilespmem:s25+$0xFFFFFFD0] =	vst v5  }
0x41: {  	v8 =	vld.idx.msk [tilespmem:v0+s24+$0xFFFFFFC0 ss:$0x1], $0xffff;
	[tilespmem:s25+$0xFFFFFFE0] =	vst v4  }
0x42: {  	v5 =	vld.idx.msk [tilespmem:v0+s24+$0xFFFFFFD0 ss:$0x1], $0xffff;
	[tilespmem:s25+$0xFFFFFFF0] =	vst v3  }
.Ltmp3:
0x43: {  	v4 =	vld.idx.msk [tilespmem:v0+s24+$0xFFFFFFE0 ss:$0x1], $0xffff;
	[tilespmem:s25+$0x0] =	vst v1;
	(pc) =	sbr.rel @p0 .LBB1_4-.Ltmp3, $4  }
0x44: {  	v3 =	vld.idx.msk [tilespmem:v0+s24+$0xFFFFFFF0 ss:$0x1], $0xffff;
	[tilespmem:s25+$0x10] =	vst v2  }
0x45: {  	v1 =	vld.idx.msk [tilespmem:v0+s24+$0x0 ss:$0x1], $0xffff;
	[tilespmem:s25+$0x20] =	vst v6;
	s25 =	sadd.s32 $0x800, s25  }
0x46: {  	v2 =	vld.idx.msk [tilespmem:v0+s24+$0x10 ss:$0x1], $0xffff;
	[tilespmem:s25+$0x30] =	vst v7  }
0x47: {  	[tilespmem:s25+$0xFFFFFFC0] =	vst v8;
	v6 =	vld.idx.msk [tilespmem:v0+s24+$0x20 ss:$0x1], $0xffff;
	s24 =	sshra.s32 s26, $0x2;
	s26 =	sadd.s32 $0x200, s26  }
0x48: {  	_ =	sdelay $0x2  }
0x49: {  	[tilespmem:s25+$0xFFFFFFD0] =	vst v5  }
0x4a: {  	v56 =	vld.idx.msk [tilespmem:v0+s24+$0x30 ss:$0x1], $0xffff;
	[tilespmem:s25+$0xFFFFFFE0] =	vst v4  }
0x4b: {  	v57 =	vld.idx.msk [tilespmem:v0+s24+$0xFFFFFFC0 ss:$0x1], $0xffff;
	[tilespmem:s25+$0xFFFFFFF0] =	vst v3  }
0x4c: {  	v58 =	vld.idx.msk [tilespmem:v0+s24+$0xFFFFFFD0 ss:$0x1], $0xffff;
	[tilespmem:s25+$0x0] =	vst v1  }
0x4d: {  	v59 =	vld.idx.msk [tilespmem:v0+s24+$0xFFFFFFE0 ss:$0x1], $0xffff;
	[tilespmem:s25+$0x10] =	vst v2  }
0x4e: {  	v60 =	vld.idx.msk [tilespmem:v0+s24+$0xFFFFFFF0 ss:$0x1], $0xffff;
	s31 =	sadd.s32 $0x800, s25;
	[tilespmem:s25+$0x20] =	vst v6  }
0x4f: {  	v61 =	vld.idx.msk [tilespmem:v0+s24+$0x0 ss:$0x1], $0xffff;
	[tilespmem:s31+$0x30] =	vst v56  }
0x50: {  	v62 =	vld.idx.msk [tilespmem:v0+s24+$0x10 ss:$0x1], $0xffff;
	s23 =	sadd.s32 $0x1, s23;
	[tilespmem:s31+$0xFFFFFFC0] =	vst v57  }
0x51: {  	v63 =	vld.idx.msk [tilespmem:v0+s24+$0x20 ss:$0x1], $0xffff;
	p0 =	sne.s32 s23, $0x10;
	[tilespmem:s31+$0xFFFFFFD0] =	vst v58  }
.Ltmp4:
0x52: {  	[tilespmem:s31+$0xFFFFFFE0] =	vst v59;
	(pc) =	sbr.rel @p0 .LBB1_3-.Ltmp4, $4  }
0x53: {  	[tilespmem:s31+$0xFFFFFFF0] =	vst v60  }
0x54: {  	[tilespmem:s31+$0x0] =	vst v61  }
0x55: {  	[tilespmem:s31+$0x10] =	vst v62  }
0x56: {  	s21 =	sadd.s32 $0x80, s21;
	s22 =	sadd.s32 $0x400, s22;
	[tilespmem:s31+$0x20] =	vst v63  }
0x57: {  	s21 =	sshrl.u32 s19, $0x2  }
0x58: {  	s22 =	sshll.u32 s17, $0x2;
	s21 =	smul.u32 $0x30E00, s21  }
0x59: {  	s27 =	sshll.u32 s19, $0x7;
	s22 =	sand.u32 $0xFFFFFE00, s22  }
0x5a: {  	s19 =	sand.u32 $0x180, s27;
	s21 =	sadd.s32 s21, s22  }
0x5b: {  	s28 =	sand.u32 $0x7F, s17;
	s19 =	sor.u32 s19, s21  }
0x5c: {  	s17 =	sor.u32 s28, s19;
	s19 =	smulhi.u32 $0xA79C7B17, s19  }
0x5d: {  	s29 =	smulhi.u32 $0xA79C7B17, s17  }
0x5e: {  	s18 =	smul.u32 $0x61C0, s18  }
0x5f: {  	s16 =	smul.u32 $0x61C00, s16;
	s19 =	sshrl.u32 s19, $0xF;
	s21 =	sshrl.u32 s29, $0xF  }
0x60: {  	s19 =	sand.u32 $0x3, s19;
	s21 =	smul.u32 $0xC380, s21  }
0x61: {  	s19 =	smul.u32 $0x1870, s19  }
.Ltmp5:
0x62: {  	s18 =	sadd.s32 s7, s18;
	s17 =	ssub.s32 s17, s21;
	(pc) =	sbr.rel .LBB1_7-.Ltmp5, $4  }
0x63: {  	s16 =	sadd.s32 s16, s18;
	s30 =	sand.u32 $0x7, s17  }
0x64: {  	s16 =	sadd.s32 s19, s16;
	s17 =	sshrl.u32 s17, $0x3;
	s18 =	sshll.u32 s30, $0x12  }
0x65: {  	s16 =	sadd.s32 s17, s16;
	s31 =	sor.u32 $0x80, s18  }
0x66: {  	[hbm4b:s16+s31] =	stream.strided.scatter [tilespmem:s20], [sflag:$0x2], $0x4000, s9, s31, $0x38;
	[tilespmem:$0x10000] =	vst v63  }
.LBB1_8:
0x67: {  	_ =	sfence.sel $0x180000  }
0x68: {  	s1 =	simm.s32 $0x1;
	[bflag:$0x0] =	sbarrier.arrive $0xFFFF  }
0x69: {  	s31 =	simm.s32 $0x2;
	[sflag:s1] =	ssyncpa.u1 $0x1  }
0x6a: {  	[sflag:s31] =	ssyncpa.u1 $0x1  }
0x6b: {  	p0 =	sne.s32 s0, $0x0;
	_ =	strace $0x90000047  }
0x6c: {  	s0 =	sadd.s32 @!p0 $0x100000, s3;
	[bflag:$0x2] =	sbarrier.arrive $0xFFFF  }
0x6d: {  	[sflag:s0] =	ssyncadd.tile.s32 @!p0 $0x1;
	_ =	shalt  }
.Lfunc_end1:
_tile_overlayer_lowered:
.L_overlay_start_2:
0x6e: {  	(tag) =	ssettag $0x2  }
0x6f: {  	s0 =	rddreg [dreg:$0x0];
	s2 =	stileid.u32  }
0x70: {  	s1 =	rddreg [dreg:$0x1];
	p0 =	sne.s32 s2, $0x0  }
0x71: {  	s3 =	rddreg [dreg:$0x2];
	[bflag:$0x3] =	sbarrier.arrive $0xFFFF;
	s2 =	simm.s32 @!p0 $0x1C01  }
0x72: {  	[timem:s3], [sflag:s2] =	dma.local @!p0 [hbm:s0], s1  }
0x73: {  	s0 =	simm.s32 @!p0 $0x1  }
0x74: {  	_ =	swait.ge @!p0 [sflag:s0], s1  }
0x75: {  	s1 =	ssub.s32 @!p0 $0x0, s1;
	[sflag:s0] =	ssyncset.done @!p0 $0x0  }
0x76: {  	[sflag:s0] =	ssyncadd.s32 @!p0 s1  }
0x77: {  	[bflag:$0x3] =	sbarrier.arrive $0xFFFF  }
0x78: {  	_ =	shalt  }

</sc_bundles>
